<compile_context>
chip_gen: v7x
topology: tpu7x:2x2x1
jax: 0.10.2.dev20260603
libtpu: 0.0.44.dev20260713+nightly
codegen_flags: <defaults>
</compile_context>

<pallas_src>
import functools

import jax
import jax.numpy as jnp
from jax import lax
from jax.experimental import pallas as pl
from jax.experimental.pallas import tpu as pltpu
from jax.experimental.pallas import tpu_sc as plsc

_BETA = 0.25


def _tc_body(hfi_ref, wqTi_ref, bqi_ref, embi_ref, embTi_ref, wpTi_ref, bpi_ref,
             hfo_ref, wqTo_ref, bqo_ref, embo_ref, embTo_ref, wpTo_ref, bpo_ref,
             idxi_ref, idxo_ref, gi_ref, go_ref, loss_ref, *, blk, K):
    def branch(hf_ref, wqT_ref, bq_ref, emb_ref, embT_ref, idx_ref):
        z = jnp.dot(hf_ref[...], wqT_ref[...],
                    preferred_element_type=jnp.float32) + bq_ref[...]
        ab = jnp.dot(z, embT_ref[...], preferred_element_type=jnp.float32)
        z2 = jnp.sum(z * z, axis=1, keepdims=True)
        e2 = jnp.sum(emb_ref[...] * emb_ref[...], axis=1)
        d = z2 + e2[None, :] - 2.0 * ab
        minval = jnp.min(d, axis=1)
        iota = lax.broadcasted_iota(jnp.int32, (blk, K), 1)
        idx = jnp.min(jnp.where(d <= minval[:, None], iota, K), axis=1)
        idx_ref[...] = idx.reshape(1, 1, blk)
        return jnp.sum(minval)

    p_id = branch(hfi_ref, wqTi_ref, bqi_ref, embi_ref, embTi_ref, idxi_ref)
    p_oth = branch(hfo_ref, wqTo_ref, bqo_ref, embo_ref, embTo_ref, idxo_ref)
    partial = jnp.stack([p_id, p_oth]).reshape(1, 2)

    @pl.when(pl.program_id(0) == 0)
    def _init():
        loss_ref[...] = partial
        gi_ref[...] = jnp.dot(embi_ref[...], wpTi_ref[...],
                              preferred_element_type=jnp.float32) + bpi_ref[...]
        go_ref[...] = jnp.dot(embo_ref[...], wpTo_ref[...],
                              preferred_element_type=jnp.float32) + bpo_ref[...]

    @pl.when(pl.program_id(0) != 0)
    def _acc():
        loss_ref[...] += partial


def _tc_stage(hf_id, Wq_id, bq_id, emb_id, Wp_id, bp_id,
              hf_oth, Wq_oth, bq_oth, emb_oth, Wp_oth, bp_oth, blk=512):
    N, C_id = hf_id.shape
    C_oth = hf_oth.shape[1]
    D_id = Wq_id.shape[0]
    D_oth = Wq_oth.shape[0]
    K = emb_id.shape[0]
    Co_id = Wp_id.shape[0]
    Co_oth = Wp_oth.shape[0]
    grid = N // blk
    full = lambda i: (0, 0)
    idx_id, idx_oth, g_id, g_oth, loss_sums = pl.pallas_call(
        functools.partial(_tc_body, blk=blk, K=K),
        grid=(grid,),
        in_specs=[
            pl.BlockSpec((blk, C_id), lambda i: (i, 0)),
            pl.BlockSpec((C_id, D_id), full),
            pl.BlockSpec((1, D_id), full),
            pl.BlockSpec((K, D_id), full),
            pl.BlockSpec((D_id, K), full),
            pl.BlockSpec((D_id, Co_id), full),
            pl.BlockSpec((1, Co_id), full),
            pl.BlockSpec((blk, C_oth), lambda i: (i, 0)),
            pl.BlockSpec((C_oth, D_oth), full),
            pl.BlockSpec((1, D_oth), full),
            pl.BlockSpec((K, D_oth), full),
            pl.BlockSpec((D_oth, K), full),
            pl.BlockSpec((D_oth, Co_oth), full),
            pl.BlockSpec((1, Co_oth), full),
        ],
        out_specs=[
            pl.BlockSpec((1, 1, blk), lambda i: (i, 0, 0)),
            pl.BlockSpec((1, 1, blk), lambda i: (i, 0, 0)),
            pl.BlockSpec((K, Co_id), full),
            pl.BlockSpec((K, Co_oth), full),
            pl.BlockSpec((1, 2), full),
        ],
        out_shape=[
            jax.ShapeDtypeStruct((grid, 1, blk), jnp.int32),
            jax.ShapeDtypeStruct((grid, 1, blk), jnp.int32),
            jax.ShapeDtypeStruct((K, Co_id), jnp.float32),
            jax.ShapeDtypeStruct((K, Co_oth), jnp.float32),
            jax.ShapeDtypeStruct((1, 2), jnp.float32),
        ],
    )(hf_id, Wq_id.T, bq_id[None, :], emb_id, emb_id.T, Wp_id.T, bp_id[None, :],
      hf_oth, Wq_oth.T, bq_oth[None, :], emb_oth, emb_oth.T, Wp_oth.T,
      bp_oth[None, :])
    return idx_id.reshape(N), idx_oth.reshape(N), g_id, g_oth, loss_sums


def _sc_gather(g_id, g_oth, idx_id, idx_oth):
    N = idx_id.shape[0]
    Co_id = g_id.shape[1]
    Co_oth = g_oth.shape[1]
    info = plsc.get_sparse_core_info()
    nw = info.num_cores * info.num_subcores
    bpw = N // nw
    mesh = plsc.VectorSubcoreMesh(core_axis_name="c", subcore_axis_name="s")

    @functools.partial(
        pl.kernel, mesh=mesh,
        out_type=[
            jax.ShapeDtypeStruct((N, Co_id), jnp.float32),
            jax.ShapeDtypeStruct((N, Co_oth), jnp.float32),
        ],
        scratch_types=[
            pltpu.VMEM((bpw,), jnp.int32),
            pltpu.VMEM((bpw,), jnp.int32),
            pltpu.VMEM((bpw, Co_id), jnp.float32),
            pltpu.VMEM((bpw, Co_oth), jnp.float32),
            pltpu.SemaphoreType.DMA,
            pltpu.SemaphoreType.DMA,
        ],
    )
    def gather(gi_hbm, go_hbm, ii_hbm, io_hbm, oi_hbm, oo_hbm,
               ii_v, io_v, ri_v, ro_v, sem_i, sem_o):
        wid = lax.axis_index("s") * info.num_cores + lax.axis_index("c")
        base = wid * bpw
        pltpu.sync_copy(ii_hbm.at[pl.ds(base, bpw)], ii_v)
        pltpu.sync_copy(io_hbm.at[pl.ds(base, bpw)], io_v)
        cp_i = pltpu.async_copy(gi_hbm.at[ii_v], ri_v, sem_i)
        cp_o = pltpu.async_copy(go_hbm.at[io_v], ro_v, sem_o)
        cp_i.wait()
        cp_o.wait()
        pltpu.sync_copy(ri_v, oi_hbm.at[pl.ds(base, bpw)])
        pltpu.sync_copy(ro_v, oo_hbm.at[pl.ds(base, bpw)])

    return gather(g_id, g_oth, idx_id, idx_oth)


def kernel(h_identity, h_others, W_quant_id, b_quant_id, codebook_id,
           W_post_id, b_post_id, W_quant_oth, b_quant_oth, codebook_oth,
           W_post_oth, b_post_oth):
    B, C_id, H, W = h_identity.shape
    C_oth = h_others.shape[1]
    N = B * H * W
    D_id = W_quant_id.shape[0]
    D_oth = W_quant_oth.shape[0]
    hf_id = h_identity.transpose(0, 2, 3, 1).reshape(N, C_id)
    hf_oth = h_others.transpose(0, 2, 3, 1).reshape(N, C_oth)

    idx_id, idx_oth, g_id, g_oth, loss_sums = _tc_stage(
        hf_id, W_quant_id, b_quant_id, codebook_id, W_post_id, b_post_id,
        hf_oth, W_quant_oth, b_quant_oth, codebook_oth, W_post_oth, b_post_oth)

    out_id, out_oth = _sc_gather(g_id, g_oth, idx_id, idx_oth)

    loss = (1.0 + _BETA) * (loss_sums[0, 0] / (N * D_id)
                            + loss_sums[0, 1] / (N * D_oth))
    out_id = out_id.reshape(B, H, W, C_id).transpose(0, 3, 1, 2)
    out_oth = out_oth.reshape(B, H, W, C_oth).transpose(0, 3, 1, 2)
    out = jnp.concatenate([out_id, out_oth], axis=1)
    return out, loss

# --- scband reference (transcript-rebuilt; emitter-appended) ---
"""Pipeline reference for scband-vqgandecompose-model-36069135352170 (READ-ONLY COPY).

The authoritative reference and input builder live on the scoring server;
editing this copy changes nothing except your own understanding.
"""

import jax, jax.numpy as jnp
import numpy as np

BETA = 0.25

def conv1x1(x, W, b):
    # x: [B, Cin, H, W], W: [Cout, Cin], b: [Cout]  (1x1 Conv2d)
    return jnp.einsum('bchw,oc->bohw', x, W) + b[None, :, None, None]

def vector_quantize(z, emb, beta):
    # Faithful taming-transformers VectorQuantizer
    # z: [B, C, H, W], emb: [K, C]
    zp = jnp.transpose(z, (0, 2, 3, 1))  # [B, H, W, C]
    C = emb.shape[1]
    zf = zp.reshape(-1, C)
    d = (jnp.sum(zf ** 2, axis=1, keepdims=True)
         + jnp.sum(emb ** 2, axis=1)[None, :]
         - 2.0 * (zf @ emb.T))
    idx = jnp.argmin(d, axis=1)
    zq = jnp.take(emb, idx, axis=0).reshape(zp.shape)
    loss = (beta * jnp.mean((jax.lax.stop_gradient(zq) - zp) ** 2)
            + jnp.mean((zq - jax.lax.stop_gradient(zp)) ** 2))
    zq = zp + jax.lax.stop_gradient(zq - zp)  # straight-through
    zq = jnp.transpose(zq, (0, 3, 1, 2))
    return zq, loss, idx

def setup_inputs(seed: int = 0) -> dict:
    key = jax.random.key(seed)
    ks = jax.random.split(key, 12)
    B, H, W = 4, 32, 32
    z_ch, emb_dim, n_embed = 256, 256, 1024
    zc2, ed2 = z_ch // 2, emb_dim // 2
    return {
        'h_identity': jax.random.normal(ks[0], (B, z_ch, H, W), jnp.float32),
        'h_others': jax.random.normal(ks[1], (B, zc2, H, W), jnp.float32),
        'W_quant_id': jax.random.normal(ks[2], (emb_dim, z_ch), jnp.float32) * 0.05,
        'b_quant_id': jnp.zeros((emb_dim,), jnp.float32),
        'codebook_id': jax.random.uniform(ks[3], (n_embed, emb_dim), jnp.float32, -1.0 / n_embed, 1.0 / n_embed),
        'W_post_id': jax.random.normal(ks[4], (z_ch, emb_dim), jnp.float32) * 0.05,
        'b_post_id': jnp.zeros((z_ch,), jnp.float32),
        'W_quant_oth': jax.random.normal(ks[5], (ed2, zc2), jnp.float32) * 0.05,
        'b_quant_oth': jnp.zeros((ed2,), jnp.float32),
        'codebook_oth': jax.random.uniform(ks[6], (n_embed, ed2), jnp.float32, -1.0 / n_embed, 1.0 / n_embed),
        'W_post_oth': jax.random.normal(ks[7], (zc2, ed2), jnp.float32) * 0.05,
        'b_post_oth': jnp.zeros((zc2,), jnp.float32),
    }

def reference(h_identity, h_others, W_quant_id, b_quant_id, codebook_id, W_post_id, b_post_id,
              W_quant_oth, b_quant_oth, codebook_oth, W_post_oth, b_post_oth):
    # identity branch: quant_conv_identity -> quantize_identity -> post_quant_conv_identity
    z_id = conv1x1(h_identity, W_quant_id, b_quant_id)
    zq_id, loss_id, _ = vector_quantize(z_id, codebook_id, BETA)
    out_id = conv1x1(zq_id, W_post_id, b_post_id)
    # others branch: quant_conv_others -> quantize_others -> post_quant_conv_others
    z_oth = conv1x1(h_others, W_quant_oth, b_quant_oth)
    zq_oth, loss_oth, _ = vector_quantize(z_oth, codebook_oth, BETA)
    out_oth = conv1x1(zq_oth, W_post_oth, b_post_oth)
    out = jnp.concatenate([out_id, out_oth], axis=1)  # [B, 384, 32, 32]
    return out, loss_id + loss_oth

if __name__ == "__main__":
    import jax
    _d = setup_inputs()
    print(jax.jit(kernel)(*tuple(_d.values())))

</pallas_src>

<mosaic_0001>
#map = affine_map<(d0, d1) -> (0, 0)>
#map1 = affine_map<(d0, d1) -> (0)>
module attributes {stable_mosaic.version = 14 : i64} {
  func.func @gather(%arg0: i32, %arg1: i32, %arg2: memref<1024x256xf32, #tpu.memory_space<hbm>>, %arg3: memref<1024x128xf32, #tpu.memory_space<hbm>>, %arg4: memref<4096xi32, #tpu.memory_space<hbm>>, %arg5: memref<4096xi32, #tpu.memory_space<hbm>>, %arg6: memref<4096x256xf32, #tpu.memory_space<hbm>>, %arg7: memref<4096x128xf32, #tpu.memory_space<hbm>>, %arg8: memref<128xi32, #tpu.memory_space<vmem>>, %arg9: memref<128xi32, #tpu.memory_space<vmem>>, %arg10: memref<128x256xf32, #tpu.memory_space<vmem>>, %arg11: memref<128x128xf32, #tpu.memory_space<vmem>>, %arg12: memref<!tpu.dma_semaphore, #tpu.memory_space<semaphore_mem>>, %arg13: memref<!tpu.dma_semaphore, #tpu.memory_space<semaphore_mem>>) attributes {dimension_semantics = [#tpu.dimension_semantics<core_parallel>, #tpu.dimension_semantics<subcore_parallel>], iteration_bounds = array<i64: 2, 16>, scalar_prefetch = 0 : i64, scratch_operands = 6 : i64, tpu.core_type = #tpu.core_type<sc_vector_subcore>, window_params = [{transform_indices = #map}, {transform_indices = #map}, {transform_indices = #map1}, {transform_indices = #map1}, {transform_indices = #map}, {transform_indices = #map}]} {
    %mul3A = arith.constant 2 : i32
    %mul3A_0 = arith.muli %arg1, %mul3A : i32
    %add3A = arith.addi %mul3A_0, %arg0 : i32
    %mul3A_1 = arith.constant 128 : i32
    %mul3A_2 = arith.muli %add3A, %mul3A_1 : i32
    "tpu.region"() ({
      %run_scoped3A = tpu.sem_alloc : memref<!tpu.dma_semaphore, #tpu.memory_space<semaphore_mem>>
      %dma_start3A_13 = tpu.memref_slice %arg4[%mul3A_2] : memref<4096xi32, #tpu.memory_space<hbm>> -> memref<128xi32, #tpu.memory_space<hbm>>
      %dma_start3A_14 = tpu.memref_slice %arg4[%mul3A_2] : memref<4096xi32, #tpu.memory_space<hbm>> -> memref<128xi32, #tpu.memory_space<hbm>>
      tpu.enqueue_dma source(%dma_start3A_14 : memref<128xi32, #tpu.memory_space<hbm>>) target(%arg8 : memref<128xi32, #tpu.memory_space<vmem>>) target_semaphore(%run_scoped3A : memref<!tpu.dma_semaphore, #tpu.memory_space<semaphore_mem>>)
      %dma_wait3A_15 = tpu.memref_slice %arg4[%mul3A_2] : memref<4096xi32, #tpu.memory_space<hbm>> -> memref<128xi32, #tpu.memory_space<hbm>>
      %dma_wait3A_16 = tpu.memref_slice %arg4[%mul3A_2] : memref<4096xi32, #tpu.memory_space<hbm>> -> memref<128xi32, #tpu.memory_space<hbm>>
      tpu.wait_dma2 semaphore(%run_scoped3A : memref<!tpu.dma_semaphore, #tpu.memory_space<semaphore_mem>>) src(%dma_wait3A_16 : memref<128xi32, #tpu.memory_space<hbm>>) dst(%arg8 : memref<128xi32, #tpu.memory_space<vmem>>)
      tpu.yield
    }) : () -> ()
    "tpu.region"() ({
      %run_scoped3A = tpu.sem_alloc : memref<!tpu.dma_semaphore, #tpu.memory_space<semaphore_mem>>
      %dma_start3A_13 = tpu.memref_slice %arg5[%mul3A_2] : memref<4096xi32, #tpu.memory_space<hbm>> -> memref<128xi32, #tpu.memory_space<hbm>>
      %dma_start3A_14 = tpu.memref_slice %arg5[%mul3A_2] : memref<4096xi32, #tpu.memory_space<hbm>> -> memref<128xi32, #tpu.memory_space<hbm>>
      tpu.enqueue_dma source(%dma_start3A_14 : memref<128xi32, #tpu.memory_space<hbm>>) target(%arg9 : memref<128xi32, #tpu.memory_space<vmem>>) target_semaphore(%run_scoped3A : memref<!tpu.dma_semaphore, #tpu.memory_space<semaphore_mem>>)
      %dma_wait3A_15 = tpu.memref_slice %arg5[%mul3A_2] : memref<4096xi32, #tpu.memory_space<hbm>> -> memref<128xi32, #tpu.memory_space<hbm>>
      %dma_wait3A_16 = tpu.memref_slice %arg5[%mul3A_2] : memref<4096xi32, #tpu.memory_space<hbm>> -> memref<128xi32, #tpu.memory_space<hbm>>
      tpu.wait_dma2 semaphore(%run_scoped3A : memref<!tpu.dma_semaphore, #tpu.memory_space<semaphore_mem>>) src(%dma_wait3A_16 : memref<128xi32, #tpu.memory_space<hbm>>) dst(%arg9 : memref<128xi32, #tpu.memory_space<vmem>>)
      tpu.yield
    }) : () -> ()
    %dma_start3A = arith.constant 0 : i32
    %dma_start3A_3 = arith.constant 0 : i32
    %dma_start3A_4 = tpu.memref_slice %arg2[%dma_start3A, %dma_start3A_3] : memref<1024x256xf32, #tpu.memory_space<hbm>> -> memref<1024x256xf32, #tpu.memory_space<hbm>>
    tpu.enqueue_indirect_dma source(%dma_start3A_4 : memref<1024x256xf32, #tpu.memory_space<hbm>>) target(%arg10 : memref<128x256xf32, #tpu.memory_space<vmem>>) offsets(%arg8 : memref<128xi32, #tpu.memory_space<vmem>>) semaphore(%arg12 : memref<!tpu.dma_semaphore, #tpu.memory_space<semaphore_mem>>)
    %dma_start3A_5 = arith.constant 0 : i32
    %dma_start3A_6 = arith.constant 0 : i32
    %dma_start3A_7 = tpu.memref_slice %arg3[%dma_start3A_5, %dma_start3A_6] : memref<1024x128xf32, #tpu.memory_space<hbm>> -> memref<1024x128xf32, #tpu.memory_space<hbm>>
    tpu.enqueue_indirect_dma source(%dma_start3A_7 : memref<1024x128xf32, #tpu.memory_space<hbm>>) target(%arg11 : memref<128x128xf32, #tpu.memory_space<vmem>>) offsets(%arg9 : memref<128xi32, #tpu.memory_space<vmem>>) semaphore(%arg13 : memref<!tpu.dma_semaphore, #tpu.memory_space<semaphore_mem>>)
    %dma_wait3A = arith.constant 0 : i32
    %dma_wait3A_8 = arith.constant 0 : i32
    %dma_wait3A_9 = tpu.memref_slice %arg2[%dma_wait3A, %dma_wait3A_8] : memref<1024x256xf32, #tpu.memory_space<hbm>> -> memref<1024x256xf32, #tpu.memory_space<hbm>>
    tpu.wait_indirect_dma semaphore(%arg12 : memref<!tpu.dma_semaphore, #tpu.memory_space<semaphore_mem>>) src(%dma_wait3A_9 : memref<1024x256xf32, #tpu.memory_space<hbm>>) dst(%arg10 : memref<128x256xf32, #tpu.memory_space<vmem>>)
    %dma_wait3A_10 = arith.constant 0 : i32
    %dma_wait3A_11 = arith.constant 0 : i32
    %dma_wait3A_12 = tpu.memref_slice %arg3[%dma_wait3A_10, %dma_wait3A_11] : memref<1024x128xf32, #tpu.memory_space<hbm>> -> memref<1024x128xf32, #tpu.memory_space<hbm>>
    tpu.wait_indirect_dma semaphore(%arg13 : memref<!tpu.dma_semaphore, #tpu.memory_space<semaphore_mem>>) src(%dma_wait3A_12 : memref<1024x128xf32, #tpu.memory_space<hbm>>) dst(%arg11 : memref<128x128xf32, #tpu.memory_space<vmem>>)
    "tpu.region"() ({
      %run_scoped3A = tpu.sem_alloc : memref<!tpu.dma_semaphore, #tpu.memory_space<semaphore_mem>>
      %dma_start3A_13 = arith.constant 0 : i32
      %dma_start3A_14 = tpu.memref_slice %arg6[%mul3A_2, %dma_start3A_13] : memref<4096x256xf32, #tpu.memory_space<hbm>> -> memref<128x256xf32, #tpu.memory_space<hbm>>
      %dma_start3A_15 = arith.constant 0 : i32
      %dma_start3A_16 = tpu.memref_slice %arg6[%mul3A_2, %dma_start3A_15] : memref<4096x256xf32, #tpu.memory_space<hbm>> -> memref<128x256xf32, #tpu.memory_space<hbm>>
      tpu.enqueue_dma source(%arg10 : memref<128x256xf32, #tpu.memory_space<vmem>>) target(%dma_start3A_16 : memref<128x256xf32, #tpu.memory_space<hbm>>) target_semaphore(%run_scoped3A : memref<!tpu.dma_semaphore, #tpu.memory_space<semaphore_mem>>)
      %dma_wait3A_17 = arith.constant 0 : i32
      %dma_wait3A_18 = tpu.memref_slice %arg6[%mul3A_2, %dma_wait3A_17] : memref<4096x256xf32, #tpu.memory_space<hbm>> -> memref<128x256xf32, #tpu.memory_space<hbm>>
      %dma_wait3A_19 = arith.constant 0 : i32
      %dma_wait3A_20 = tpu.memref_slice %arg6[%mul3A_2, %dma_wait3A_19] : memref<4096x256xf32, #tpu.memory_space<hbm>> -> memref<128x256xf32, #tpu.memory_space<hbm>>
      tpu.wait_dma2 semaphore(%run_scoped3A : memref<!tpu.dma_semaphore, #tpu.memory_space<semaphore_mem>>) src(%arg10 : memref<128x256xf32, #tpu.memory_space<vmem>>) dst(%dma_wait3A_20 : memref<128x256xf32, #tpu.memory_space<hbm>>)
      tpu.yield
    }) : () -> ()
    "tpu.region"() ({
      %run_scoped3A = tpu.sem_alloc : memref<!tpu.dma_semaphore, #tpu.memory_space<semaphore_mem>>
      %dma_start3A_13 = arith.constant 0 : i32
      %dma_start3A_14 = tpu.memref_slice %arg7[%mul3A_2, %dma_start3A_13] : memref<4096x128xf32, #tpu.memory_space<hbm>> -> memref<128x128xf32, #tpu.memory_space<hbm>>
      %dma_start3A_15 = arith.constant 0 : i32
      %dma_start3A_16 = tpu.memref_slice %arg7[%mul3A_2, %dma_start3A_15] : memref<4096x128xf32, #tpu.memory_space<hbm>> -> memref<128x128xf32, #tpu.memory_space<hbm>>
      tpu.enqueue_dma source(%arg11 : memref<128x128xf32, #tpu.memory_space<vmem>>) target(%dma_start3A_16 : memref<128x128xf32, #tpu.memory_space<hbm>>) target_semaphore(%run_scoped3A : memref<!tpu.dma_semaphore, #tpu.memory_space<semaphore_mem>>)
      %dma_wait3A_17 = arith.constant 0 : i32
      %dma_wait3A_18 = tpu.memref_slice %arg7[%mul3A_2, %dma_wait3A_17] : memref<4096x128xf32, #tpu.memory_space<hbm>> -> memref<128x128xf32, #tpu.memory_space<hbm>>
      %dma_wait3A_19 = arith.constant 0 : i32
      %dma_wait3A_20 = tpu.memref_slice %arg7[%mul3A_2, %dma_wait3A_19] : memref<4096x128xf32, #tpu.memory_space<hbm>> -> memref<128x128xf32, #tpu.memory_space<hbm>>
      tpu.wait_dma2 semaphore(%run_scoped3A : memref<!tpu.dma_semaphore, #tpu.memory_space<semaphore_mem>>) src(%arg11 : memref<128x128xf32, #tpu.memory_space<vmem>>) dst(%dma_wait3A_20 : memref<128x128xf32, #tpu.memory_space<hbm>>)
      tpu.yield
    }) : () -> ()
    return
  }
}

module attributes {stable_mosaic.version = 14 : i64} {
  func.func @_tc_body(%arg0: i32, %arg1: memref<512x256xf32, #tpu.memory_space<vmem>>, %arg2: memref<256x256xf32, #tpu.memory_space<vmem>>, %arg3: memref<1x256xf32, #tpu.memory_space<vmem>>, %arg4: memref<1024x256xf32, #tpu.memory_space<vmem>>, %arg5: memref<256x1024xf32, #tpu.memory_space<vmem>>, %arg6: memref<256x256xf32, #tpu.memory_space<vmem>>, %arg7: memref<1x256xf32, #tpu.memory_space<vmem>>, %arg8: memref<512x128xf32, #tpu.memory_space<vmem>>, %arg9: memref<128x128xf32, #tpu.memory_space<vmem>>, %arg10: memref<1x128xf32, #tpu.memory_space<vmem>>, %arg11: memref<1024x128xf32, #tpu.memory_space<vmem>>, %arg12: memref<128x1024xf32, #tpu.memory_space<vmem>>, %arg13: memref<128x128xf32, #tpu.memory_space<vmem>>, %arg14: memref<1x128xf32, #tpu.memory_space<vmem>>, %arg15: memref<1x1x512xi32, #tpu.memory_space<vmem>>, %arg16: memref<1x1x512xi32, #tpu.memory_space<vmem>>, %arg17: memref<1024x256xf32, #tpu.memory_space<vmem>>, %arg18: memref<1024x128xf32, #tpu.memory_space<vmem>>, %arg19: memref<1x2xf32, #tpu.memory_space<vmem>>) attributes {dimension_semantics = [#tpu.dimension_semantics<arbitrary>], iteration_bounds = array<i64: 8>, scalar_prefetch = 0 : i64, scratch_operands = 0 : i64, tpu.core_type = #tpu.core_type<tc>, window_params = [{transform_indices = @transform_0, window_bounds = array<i64: 512, 256>}, {pipeline_mode = #tpu.pipeline_mode<synchronous>, transform_indices = @transform_1, window_bounds = array<i64: 256, 256>}, {pipeline_mode = #tpu.pipeline_mode<synchronous>, transform_indices = @transform_2, window_bounds = array<i64: 1, 256>}, {pipeline_mode = #tpu.pipeline_mode<synchronous>, transform_indices = @transform_3, window_bounds = array<i64: 1024, 256>}, {pipeline_mode = #tpu.pipeline_mode<synchronous>, transform_indices = @transform_4, window_bounds = array<i64: 256, 1024>}, {pipeline_mode = #tpu.pipeline_mode<synchronous>, transform_indices = @transform_5, window_bounds = array<i64: 256, 256>}, {pipeline_mode = #tpu.pipeline_mode<synchronous>, transform_indices = @transform_6, window_bounds = array<i64: 1, 256>}, {transform_indices = @transform_7, window_bounds = array<i64: 512, 128>}, {pipeline_mode = #tpu.pipeline_mode<synchronous>, transform_indices = @transform_8, window_bounds = array<i64: 128, 128>}, {pipeline_mode = #tpu.pipeline_mode<synchronous>, transform_indices = @transform_9, window_bounds = array<i64: 1, 128>}, {pipeline_mode = #tpu.pipeline_mode<synchronous>, transform_indices = @transform_10, window_bounds = array<i64: 1024, 128>}, {pipeline_mode = #tpu.pipeline_mode<synchronous>, transform_indices = @transform_11, window_bounds = array<i64: 128, 1024>}, {pipeline_mode = #tpu.pipeline_mode<synchronous>, transform_indices = @transform_12, window_bounds = array<i64: 128, 128>}, {pipeline_mode = #tpu.pipeline_mode<synchronous>, transform_indices = @transform_13, window_bounds = array<i64: 1, 128>}, {transform_indices = @transform_14, window_bounds = array<i64: 1, 1, 512>}, {transform_indices = @transform_15, window_bounds = array<i64: 1, 1, 512>}, {pipeline_mode = #tpu.pipeline_mode<synchronous>, transform_indices = @transform_16, window_bounds = array<i64: 1024, 256>}, {pipeline_mode = #tpu.pipeline_mode<synchronous>, transform_indices = @transform_17, window_bounds = array<i64: 1024, 128>}, {pipeline_mode = #tpu.pipeline_mode<synchronous>, transform_indices = @transform_18, window_bounds = array<i64: 1, 2>}]} {
    %get3A = arith.constant 0 : index
    %get3A_0 = arith.constant 0 : index
    %get3A_1 = vector.load %arg1[%get3A, %get3A_0] : memref<512x256xf32, #tpu.memory_space<vmem>>, vector<512x256xf32>
    %get3A_2 = arith.constant 0 : index
    %get3A_3 = arith.constant 0 : index
    %get3A_4 = vector.load %arg2[%get3A_2, %get3A_3] : memref<256x256xf32, #tpu.memory_space<vmem>>, vector<256x256xf32>
    %dot_general3A = arith.constant dense<0.000000e+00> : vector<512x256xf32>
    %dot_general3A_5 = tpu.matmul %get3A_1, %get3A_4, %dot_general3A {dimension_numbers = #tpu.dot_dimension_numbers<[1], [0], [0], [1], [0, 0, 1, 1], [], []>, transpose_lhs_hint = false} : vector<512x256xf32>, vector<256x256xf32>, vector<512x256xf32> -> vector<512x256xf32>
    %get3A_6 = arith.constant 0 : index
    %get3A_7 = arith.constant 0 : index
    %get3A_8 = vector.load %arg3[%get3A_6, %get3A_7] : memref<1x256xf32, #tpu.memory_space<vmem>>, vector<1x256xf32>
    %add3A = vector.broadcast %get3A_8 : vector<1x256xf32> to vector<512x256xf32>
    %add3A_9 = arith.addf %dot_general3A_5, %add3A : vector<512x256xf32>
    %get3A_10 = arith.constant 0 : index
    %get3A_11 = arith.constant 0 : index
    %get3A_12 = vector.load %arg5[%get3A_10, %get3A_11] : memref<256x1024xf32, #tpu.memory_space<vmem>>, vector<256x1024xf32>
    %dot_general3A_13 = arith.constant dense<0.000000e+00> : vector<512x1024xf32>
    %dot_general3A_14 = tpu.matmul %add3A_9, %get3A_12, %dot_general3A_13 {dimension_numbers = #tpu.dot_dimension_numbers<[1], [0], [0], [1], [0, 0, 1, 1], [], []>, transpose_lhs_hint = false} : vector<512x256xf32>, vector<256x1024xf32>, vector<512x1024xf32> -> vector<512x1024xf32>
    %mul3A = arith.mulf %add3A_9, %add3A_9 : vector<512x256xf32>
    %reduce_sum3A = arith.constant dense<0.000000e+00> : vector<512xf32>
    %reduce_sum3A_15 = vector.multi_reduction <add>, %mul3A, %reduce_sum3A [1] : vector<512x256xf32> to vector<512xf32>
    %broadcast_in_dim3A = vector.shape_cast %reduce_sum3A_15 : vector<512xf32> to vector<512x1xf32>
    %get3A_16 = arith.constant 0 : index
    %get3A_17 = arith.constant 0 : index
    %get3A_18 = vector.load %arg4[%get3A_16, %get3A_17] : memref<1024x256xf32, #tpu.memory_space<vmem>>, vector<1024x256xf32>
    %get3A_19 = arith.constant 0 : index
    %get3A_20 = arith.constant 0 : index
    %get3A_21 = vector.load %arg4[%get3A_19, %get3A_20] : memref<1024x256xf32, #tpu.memory_space<vmem>>, vector<1024x256xf32>
    %mul3A_22 = arith.mulf %get3A_18, %get3A_21 : vector<1024x256xf32>
    %reduce_sum3A_23 = arith.constant dense<0.000000e+00> : vector<1024xf32>
    %reduce_sum3A_24 = vector.multi_reduction <add>, %mul3A_22, %reduce_sum3A_23 [1] : vector<1024x256xf32> to vector<1024xf32>
    %broadcast_in_dim3A_25 = vector.shape_cast %reduce_sum3A_24 : vector<1024xf32> to vector<1x1024xf32>
    %add3A_26 = vector.broadcast %broadcast_in_dim3A : vector<512x1xf32> to vector<512x1024xf32>
    %add3A_27 = vector.broadcast %broadcast_in_dim3A_25 : vector<1x1024xf32> to vector<512x1024xf32>
    %add3A_28 = arith.addf %add3A_26, %add3A_27 : vector<512x1024xf32>
    %mul3A_29 = arith.constant 2.000000e+00 : f32
    %mul3A_30 = vector.broadcast %mul3A_29 : f32 to vector<512x1024xf32>
    %mul3A_31 = arith.mulf %mul3A_30, %dot_general3A_14 : vector<512x1024xf32>
    %sub3A = arith.subf %add3A_28, %mul3A_31 : vector<512x1024xf32>
    %reduce_min3A = arith.constant dense<0x7F800000> : vector<512xf32>
    %reduce_min3A_32 = vector.multi_reduction <minimumf>, %sub3A, %reduce_min3A [1] : vector<512x1024xf32> to vector<512xf32>
    %iota3A = tpu.iota {dimensions = array<i32: 1>} : vector<512x1024xi32>
    %broadcast_in_dim3A_33 = vector.shape_cast %reduce_min3A_32 : vector<512xf32> to vector<512x1xf32>
    %le3A = vector.broadcast %broadcast_in_dim3A_33 : vector<512x1xf32> to vector<512x1024xf32>
    %le3A_34 = arith.cmpf ole, %sub3A, %le3A : vector<512x1024xf32>
    %jit3A = arith.constant 1024 : i32
    %broadcast_in_dim3A_35 = vector.broadcast %jit3A : i32 to vector<512x1024xi32>
    %select_n3A = arith.select %le3A_34, %iota3A, %broadcast_in_dim3A_35 : vector<512x1024xi1>, vector<512x1024xi32>
    %reduce_min3A_36 = arith.constant dense<2147483647> : vector<512xi32>
    %reduce_min3A_37 = vector.multi_reduction <minsi>, %select_n3A, %reduce_min3A_36 [1] : vector<512x1024xi32> to vector<512xi32>
    %reshape3A = vector.shape_cast %reduce_min3A_37 : vector<512xi32> to vector<1x1x512xi32>
    %swap3A = arith.constant 0 : index
    %swap3A_38 = arith.constant 0 : index
    %swap3A_39 = arith.constant 0 : index
    %swap3A_40 = vector.load %arg15[%swap3A, %swap3A_38, %swap3A_39] : memref<1x1x512xi32, #tpu.memory_space<vmem>>, vector<1x1x512xi32>
    tpu.vector_store %arg15[%swap3A, %swap3A_38, %swap3A_39], %reshape3A {strides = array<i32>} : memref<1x1x512xi32, #tpu.memory_space<vmem>>, vector<1x1x512xi32>,
    %reduce_sum3A_41 = vector.shape_cast %reduce_min3A_32 : vector<512xf32> to vector<1x512xf32>
    %reduce_sum3A_42 = arith.constant dense<0.000000e+00> : vector<1xf32>
    %reduce_sum3A_43 = vector.multi_reduction <add>, %reduce_sum3A_41, %reduce_sum3A_42 [1] : vector<1x512xf32> to vector<1xf32>
    %reduce_sum3A_44 = vector.shape_cast %reduce_sum3A_43 : vector<1xf32> to vector<1x1xf32>
    %reduce_sum3A_45 = vector.extract %reduce_sum3A_44[0, 0] : f32 from vector<1x1xf32>
    %get3A_46 = arith.constant 0 : index
    %get3A_47 = arith.constant 0 : index
    %get3A_48 = vector.load %arg8[%get3A_46, %get3A_47] : memref<512x128xf32, #tpu.memory_space<vmem>>, vector<512x128xf32>
    %get3A_49 = arith.constant 0 : index
    %get3A_50 = arith.constant 0 : index
    %get3A_51 = vector.load %arg9[%get3A_49, %get3A_50] : memref<128x128xf32, #tpu.memory_space<vmem>>, vector<128x128xf32>
    %dot_general3A_52 = arith.constant dense<0.000000e+00> : vector<512x128xf32>
    %dot_general3A_53 = tpu.matmul %get3A_48, %get3A_51, %dot_general3A_52 {dimension_numbers = #tpu.dot_dimension_numbers<[1], [0], [0], [1], [0, 0, 1, 1], [], []>, transpose_lhs_hint = false} : vector<512x128xf32>, vector<128x128xf32>, vector<512x128xf32> -> vector<512x128xf32>
    %get3A_54 = arith.constant 0 : index
    %get3A_55 = arith.constant 0 : index
    %get3A_56 = vector.load %arg10[%get3A_54, %get3A_55] : memref<1x128xf32, #tpu.memory_space<vmem>>, vector<1x128xf32>
    %add3A_57 = vector.broadcast %get3A_56 : vector<1x128xf32> to vector<512x128xf32>
    %add3A_58 = arith.addf %dot_general3A_53, %add3A_57 : vector<512x128xf32>
    %get3A_59 = arith.constant 0 : index
    %get3A_60 = arith.constant 0 : index
    %get3A_61 = vector.load %arg12[%get3A_59, %get3A_60] : memref<128x1024xf32, #tpu.memory_space<vmem>>, vector<128x1024xf32>
    %dot_general3A_62 = arith.constant dense<0.000000e+00> : vector<512x1024xf32>
    %dot_general3A_63 = tpu.matmul %add3A_58, %get3A_61, %dot_general3A_62 {dimension_numbers = #tpu.dot_dimension_numbers<[1], [0], [0], [1], [0, 0, 1, 1], [], []>, transpose_lhs_hint = false} : vector<512x128xf32>, vector<128x1024xf32>, vector<512x1024xf32> -> vector<512x1024xf32>
    %mul3A_64 = arith.mulf %add3A_58, %add3A_58 : vector<512x128xf32>
    %reduce_sum3A_65 = arith.constant dense<0.000000e+00> : vector<512xf32>
    %reduce_sum3A_66 = vector.multi_reduction <add>, %mul3A_64, %reduce_sum3A_65 [1] : vector<512x128xf32> to vector<512xf32>
    %broadcast_in_dim3A_67 = vector.shape_cast %reduce_sum3A_66 : vector<512xf32> to vector<512x1xf32>
    %get3A_68 = arith.constant 0 : index
    %get3A_69 = arith.constant 0 : index
    %get3A_70 = vector.load %arg11[%get3A_68, %get3A_69] : memref<1024x128xf32, #tpu.memory_space<vmem>>, vector<1024x128xf32>
    %get3A_71 = arith.constant 0 : index
    %get3A_72 = arith.constant 0 : index
    %get3A_73 = vector.load %arg11[%get3A_71, %get3A_72] : memref<1024x128xf32, #tpu.memory_space<vmem>>, vector<1024x128xf32>
    %mul3A_74 = arith.mulf %get3A_70, %get3A_73 : vector<1024x128xf32>
    %reduce_sum3A_75 = arith.constant dense<0.000000e+00> : vector<1024xf32>
    %reduce_sum3A_76 = vector.multi_reduction <add>, %mul3A_74, %reduce_sum3A_75 [1] : vector<1024x128xf32> to vector<1024xf32>
    %broadcast_in_dim3A_77 = vector.shape_cast %reduce_sum3A_76 : vector<1024xf32> to vector<1x1024xf32>
    %add3A_78 = vector.broadcast %broadcast_in_dim3A_67 : vector<512x1xf32> to vector<512x1024xf32>
    %add3A_79 = vector.broadcast %broadcast_in_dim3A_77 : vector<1x1024xf32> to vector<512x1024xf32>
    %add3A_80 = arith.addf %add3A_78, %add3A_79 : vector<512x1024xf32>
    %mul3A_81 = arith.constant 2.000000e+00 : f32
    %mul3A_82 = vector.broadcast %mul3A_81 : f32 to vector<512x1024xf32>
    %mul3A_83 = arith.mulf %mul3A_82, %dot_general3A_63 : vector<512x1024xf32>
    %sub3A_84 = arith.subf %add3A_80, %mul3A_83 : vector<512x1024xf32>
    %reduce_min3A_85 = arith.constant dense<0x7F800000> : vector<512xf32>
    %reduce_min3A_86 = vector.multi_reduction <minimumf>, %sub3A_84, %reduce_min3A_85 [1] : vector<512x1024xf32> to vector<512xf32>
    %iota3A_87 = tpu.iota {dimensions = array<i32: 1>} : vector<512x1024xi32>
    %broadcast_in_dim3A_88 = vector.shape_cast %reduce_min3A_86 : vector<512xf32> to vector<512x1xf32>
    %le3A_89 = vector.broadcast %broadcast_in_dim3A_88 : vector<512x1xf32> to vector<512x1024xf32>
    %le3A_90 = arith.cmpf ole, %sub3A_84, %le3A_89 : vector<512x1024xf32>
    %jit3A_91 = arith.constant 1024 : i32
    %broadcast_in_dim3A_92 = vector.broadcast %jit3A_91 : i32 to vector<512x1024xi32>
    %select_n3A_93 = arith.select %le3A_90, %iota3A_87, %broadcast_in_dim3A_92 : vector<512x1024xi1>, vector<512x1024xi32>
    %reduce_min3A_94 = arith.constant dense<2147483647> : vector<512xi32>
    %reduce_min3A_95 = vector.multi_reduction <minsi>, %select_n3A_93, %reduce_min3A_94 [1] : vector<512x1024xi32> to vector<512xi32>
    %reshape3A_96 = vector.shape_cast %reduce_min3A_95 : vector<512xi32> to vector<1x1x512xi32>
    %swap3A_97 = arith.constant 0 : index
    %swap3A_98 = arith.constant 0 : index
    %swap3A_99 = arith.constant 0 : index
    %swap3A_100 = vector.load %arg16[%swap3A_97, %swap3A_98, %swap3A_99] : memref<1x1x512xi32, #tpu.memory_space<vmem>>, vector<1x1x512xi32>
    tpu.vector_store %arg16[%swap3A_97, %swap3A_98, %swap3A_99], %reshape3A_96 {strides = array<i32>} : memref<1x1x512xi32, #tpu.memory_space<vmem>>, vector<1x1x512xi32>,
    %reduce_sum3A_101 = vector.shape_cast %reduce_min3A_86 : vector<512xf32> to vector<1x512xf32>
    %reduce_sum3A_102 = arith.constant dense<0.000000e+00> : vector<1xf32>
    %reduce_sum3A_103 = vector.multi_reduction <add>, %reduce_sum3A_101, %reduce_sum3A_102 [1] : vector<1x512xf32> to vector<1xf32>
    %reduce_sum3A_104 = vector.shape_cast %reduce_sum3A_103 : vector<1xf32> to vector<1x1xf32>
    %reduce_sum3A_105 = vector.extract %reduce_sum3A_104[0, 0] : f32 from vector<1x1xf32>
    %stack3A = vector.broadcast %reduce_sum3A_45 : f32 to vector<1xf32>
    %stack3A_106 = vector.broadcast %reduce_sum3A_105 : f32 to vector<1xf32>
    %stack3A_107 = tpu.concatenate %stack3A, %stack3A_106 in 0 : vector<1xf32>, vector<1xf32> -> vector<2xf32>
    %reshape3A_108 = vector.shape_cast %stack3A_107 : vector<2xf32> to vector<1x2xf32>
    %eq3A = arith.constant 0 : i32
    %eq3A_109 = arith.cmpi eq, %arg0, %eq3A : i32
    %convert_element_type3A = arith.extui %eq3A_109 : i1 to i32
    %cond3A = arith.constant 0 : i32
    %cond3A_110 = arith.cmpi ne, %convert_element_type3A, %cond3A : i32
    scf.if %cond3A_110 {
      %swap3A_115 = arith.constant 0 : index
      %swap3A_116 = arith.constant 0 : index
      %swap3A_117 = vector.load %arg19[%swap3A_115, %swap3A_116] : memref<1x2xf32, #tpu.memory_space<vmem>>, vector<1x2xf32>
      tpu.vector_store %arg19[%swap3A_115, %swap3A_116], %reshape3A_108 {strides = array<i32>} : memref<1x2xf32, #tpu.memory_space<vmem>>, vector<1x2xf32>,
      %get3A_118 = arith.constant 0 : index
      %get3A_119 = arith.constant 0 : index
      %get3A_120 = vector.load %arg4[%get3A_118, %get3A_119] : memref<1024x256xf32, #tpu.memory_space<vmem>>, vector<1024x256xf32>
      %get3A_121 = arith.constant 0 : index
      %get3A_122 = arith.constant 0 : index
      %get3A_123 = vector.load %arg6[%get3A_121, %get3A_122] : memref<256x256xf32, #tpu.memory_space<vmem>>, vector<256x256xf32>
      %dot_general3A_124 = arith.constant dense<0.000000e+00> : vector<1024x256xf32>
      %dot_general3A_125 = tpu.matmul %get3A_120, %get3A_123, %dot_general3A_124 {dimension_numbers = #tpu.dot_dimension_numbers<[1], [0], [0], [1], [0, 0, 1, 1], [], []>, transpose_lhs_hint = false} : vector<1024x256xf32>, vector<256x256xf32>, vector<1024x256xf32> -> vector<1024x256xf32>
      %get3A_126 = arith.constant 0 : index
      %get3A_127 = arith.constant 0 : index
      %get3A_128 = vector.load %arg7[%get3A_126, %get3A_127] : memref<1x256xf32, #tpu.memory_space<vmem>>, vector<1x256xf32>
      %add3A_129 = vector.broadcast %get3A_128 : vector<1x256xf32> to vector<1024x256xf32>
      %add3A_130 = arith.addf %dot_general3A_125, %add3A_129 : vector<1024x256xf32>
      %swap3A_131 = arith.constant 0 : index
      %swap3A_132 = arith.constant 0 : index
      %swap3A_133 = vector.load %arg17[%swap3A_131, %swap3A_132] : memref<1024x256xf32, #tpu.memory_space<vmem>>, vector<1024x256xf32>
      tpu.vector_store %arg17[%swap3A_131, %swap3A_132], %add3A_130 {strides = array<i32>} : memref<1024x256xf32, #tpu.memory_space<vmem>>, vector<1024x256xf32>,
      %get3A_134 = arith.constant 0 : index
      %get3A_135 = arith.constant 0 : index
      %get3A_136 = vector.load %arg11[%get3A_134, %get3A_135] : memref<1024x128xf32, #tpu.memory_space<vmem>>, vector<1024x128xf32>
      %get3A_137 = arith.constant 0 : index
      %get3A_138 = arith.constant 0 : index
      %get3A_139 = vector.load %arg13[%get3A_137, %get3A_138] : memref<128x128xf32, #tpu.memory_space<vmem>>, vector<128x128xf32>
      %dot_general3A_140 = arith.constant dense<0.000000e+00> : vector<1024x128xf32>
      %dot_general3A_141 = tpu.matmul %get3A_136, %get3A_139, %dot_general3A_140 {dimension_numbers = #tpu.dot_dimension_numbers<[1], [0], [0], [1], [0, 0, 1, 1], [], []>, transpose_lhs_hint = false} : vector<1024x128xf32>, vector<128x128xf32>, vector<1024x128xf32> -> vector<1024x128xf32>
      %get3A_142 = arith.constant 0 : index
      %get3A_143 = arith.constant 0 : index
      %get3A_144 = vector.load %arg14[%get3A_142, %get3A_143] : memref<1x128xf32, #tpu.memory_space<vmem>>, vector<1x128xf32>
      %add3A_145 = vector.broadcast %get3A_144 : vector<1x128xf32> to vector<1024x128xf32>
      %add3A_146 = arith.addf %dot_general3A_141, %add3A_145 : vector<1024x128xf32>
      %swap3A_147 = arith.constant 0 : index
      %swap3A_148 = arith.constant 0 : index
      %swap3A_149 = vector.load %arg18[%swap3A_147, %swap3A_148] : memref<1024x128xf32, #tpu.memory_space<vmem>>, vector<1024x128xf32>
      tpu.vector_store %arg18[%swap3A_147, %swap3A_148], %add3A_146 {strides = array<i32>} : memref<1024x128xf32, #tpu.memory_space<vmem>>, vector<1024x128xf32>,
    } else {
    }
    %ne3A = arith.constant 0 : i32
    %ne3A_111 = arith.cmpi ne, %arg0, %ne3A : i32
    %convert_element_type3A_112 = arith.extui %ne3A_111 : i1 to i32
    %cond3A_113 = arith.constant 0 : i32
    %cond3A_114 = arith.cmpi ne, %convert_element_type3A_112, %cond3A_113 : i32
    scf.if %cond3A_114 {
      %get3A_115 = arith.constant 0 : index
      %get3A_116 = arith.constant 0 : index
      %get3A_117 = vector.load %arg19[%get3A_115, %get3A_116] : memref<1x2xf32, #tpu.memory_space<vmem>>, vector<1x2xf32>
      %add3A_118 = arith.addf %get3A_117, %reshape3A_108 : vector<1x2xf32>
      %swap3A_119 = arith.constant 0 : index
      %swap3A_120 = arith.constant 0 : index
      %swap3A_121 = vector.load %arg19[%swap3A_119, %swap3A_120] : memref<1x2xf32, #tpu.memory_space<vmem>>, vector<1x2xf32>
      tpu.vector_store %arg19[%swap3A_119, %swap3A_120], %add3A_118 {strides = array<i32>} : memref<1x2xf32, #tpu.memory_space<vmem>>, vector<1x2xf32>,
    } else {
    }
    return
  }
  func.func @transform_0(%arg0: i32) -> (i32, i32) {
    %c0_i32 = arith.constant 0 : i32
    %c0_i32_0 = arith.constant 0 : i32
    return %arg0, %c0_i32 : i32, i32
  }
  func.func @transform_1(%arg0: i32) -> (i32, i32) {
    %c0_i32 = arith.constant 0 : i32
    %c0_i32_0 = arith.constant 0 : i32
    %c0_i32_1 = arith.constant 0 : i32
    return %c0_i32, %c0_i32_0 : i32, i32
  }
  func.func @transform_2(%arg0: i32) -> (i32, i32) {
    %c0_i32 = arith.constant 0 : i32
    %c0_i32_0 = arith.constant 0 : i32
    %c0_i32_1 = arith.constant 0 : i32
    return %c0_i32, %c0_i32_0 : i32, i32
  }
  func.func @transform_3(%arg0: i32) -> (i32, i32) {
    %c0_i32 = arith.constant 0 : i32
    %c0_i32_0 = arith.constant 0 : i32
    %c0_i32_1 = arith.constant 0 : i32
    return %c0_i32, %c0_i32_0 : i32, i32
  }
  func.func @transform_4(%arg0: i32) -> (i32, i32) {
    %c0_i32 = arith.constant 0 : i32
    %c0_i32_0 = arith.constant 0 : i32
    %c0_i32_1 = arith.constant 0 : i32
    return %c0_i32, %c0_i32_0 : i32, i32
  }
  func.func @transform_5(%arg0: i32) -> (i32, i32) {
    %c0_i32 = arith.constant 0 : i32
    %c0_i32_0 = arith.constant 0 : i32
    %c0_i32_1 = arith.constant 0 : i32
    return %c0_i32, %c0_i32_0 : i32, i32
  }
  func.func @transform_6(%arg0: i32) -> (i32, i32) {
    %c0_i32 = arith.constant 0 : i32
    %c0_i32_0 = arith.constant 0 : i32
    %c0_i32_1 = arith.constant 0 : i32
    return %c0_i32, %c0_i32_0 : i32, i32
  }
  func.func @transform_7(%arg0: i32) -> (i32, i32) {
    %c0_i32 = arith.constant 0 : i32
    %c0_i32_0 = arith.constant 0 : i32
    return %arg0, %c0_i32 : i32, i32
  }
  func.func @transform_8(%arg0: i32) -> (i32, i32) {
    %c0_i32 = arith.constant 0 : i32
    %c0_i32_0 = arith.constant 0 : i32
    %c0_i32_1 = arith.constant 0 : i32
    return %c0_i32, %c0_i32_0 : i32, i32
  }
  func.func @transform_9(%arg0: i32) -> (i32, i32) {
    %c0_i32 = arith.constant 0 : i32
    %c0_i32_0 = arith.constant 0 : i32
    %c0_i32_1 = arith.constant 0 : i32
    return %c0_i32, %c0_i32_0 : i32, i32
  }
  func.func @transform_10(%arg0: i32) -> (i32, i32) {
    %c0_i32 = arith.constant 0 : i32
    %c0_i32_0 = arith.constant 0 : i32
    %c0_i32_1 = arith.constant 0 : i32
    return %c0_i32, %c0_i32_0 : i32, i32
  }
  func.func @transform_11(%arg0: i32) -> (i32, i32) {
    %c0_i32 = arith.constant 0 : i32
    %c0_i32_0 = arith.constant 0 : i32
    %c0_i32_1 = arith.constant 0 : i32
    return %c0_i32, %c0_i32_0 : i32, i32
  }
  func.func @transform_12(%arg0: i32) -> (i32, i32) {
    %c0_i32 = arith.constant 0 : i32
    %c0_i32_0 = arith.constant 0 : i32
    %c0_i32_1 = arith.constant 0 : i32
    return %c0_i32, %c0_i32_0 : i32, i32
  }
  func.func @transform_13(%arg0: i32) -> (i32, i32) {
    %c0_i32 = arith.constant 0 : i32
    %c0_i32_0 = arith.constant 0 : i32
    %c0_i32_1 = arith.constant 0 : i32
    return %c0_i32, %c0_i32_0 : i32, i32
  }
  func.func @transform_14(%arg0: i32) -> (i32, i32, i32) {
    %c0_i32 = arith.constant 0 : i32
    %c0_i32_0 = arith.constant 0 : i32
    %c0_i32_1 = arith.constant 0 : i32
    return %arg0, %c0_i32, %c0_i32_0 : i32, i32, i32
  }
  func.func @transform_15(%arg0: i32) -> (i32, i32, i32) {
    %c0_i32 = arith.constant 0 : i32
    %c0_i32_0 = arith.constant 0 : i32
    %c0_i32_1 = arith.constant 0 : i32
    return %arg0, %c0_i32, %c0_i32_0 : i32, i32, i32
  }
  func.func @transform_16(%arg0: i32) -> (i32, i32) {
    %c0_i32 = arith.constant 0 : i32
    %c0_i32_0 = arith.constant 0 : i32
    %c0_i32_1 = arith.constant 0 : i32
    return %c0_i32, %c0_i32_0 : i32, i32
  }
  func.func @transform_17(%arg0: i32) -> (i32, i32) {
    %c0_i32 = arith.constant 0 : i32
    %c0_i32_0 = arith.constant 0 : i32
    %c0_i32_1 = arith.constant 0 : i32
    return %c0_i32, %c0_i32_0 : i32, i32
  }
  func.func @transform_18(%arg0: i32) -> (i32, i32) {
    %c0_i32 = arith.constant 0 : i32
    %c0_i32_0 = arith.constant 0 : i32
    %c0_i32_1 = arith.constant 0 : i32
    return %c0_i32, %c0_i32_0 : i32, i32
  }
}

</mosaic_0001>

<sc_bundles>
// kernel: kernel.4.cloned.1.call-start
scs
__scs_entry_jumppad:
0x0: {  	(pc) =	sbr.rel $0x88, $3  }
0x1: {  	(tag) =	ssettag $0x0;
	lr =	simm.s32 $0x1  }
0x2: {  	[smem:$0x3F95] =	sst lr;
	_ =	strace $0xD0000000  }
0x3: {  	_ = 	snop  }
0x4: {  	_ = 	snop  }
0x5: {  	_ = 	snop  }
0x6: {  	_ = 	snop  }
0x7: {  	_ = 	snop  }
__scs_overlays_trampoline_lowered:
0x8: {  	[smem:$0x3FA4] =	sst s0  }
0x9: {  	[smem:$0x3FA5] =	sst s1  }
0xa: {  	[smem:$0x3FA6] =	sst s2  }
0xb: {  	[smem:$0x3FA7] =	sst s3  }
0xc: {  	[smem:$0x3FA8] =	sst s4  }
0xd: {  	[smem:$0x3FA9] =	sst s5  }
0xe: {  	[smem:$0x3FAA] =	sst s6  }
0xf: {  	[smem:$0x3FAB] =	sst s7  }
0x10: {  	[smem:$0x3FAC] =	sst s8  }
0x11: {  	[smem:$0x3FAD] =	sst s9;
	s0 =	simm.s32 @!p0 $0x0  }
0x12: {  	s1 =	sld [smem:$0x3F93];
	s0 =	simm.s32 @p0 $0x1  }
0x13: {  	[smem:$0x3FAE] =	sst s0;
	s0 =	simm.s32 @!p1 $0x0  }
0x14: {  	s2 =	sld [smem:$0x3F92];
	s0 =	simm.s32 @p1 $0x1  }
0x15: {  	[smem:$0x3FAF] =	sst s0;
	s0 =	simm.s32 @!p2 $0x0  }
0x16: {  	s3 =	sld [smem:$0x3FDB];
	s0 =	simm.s32 @p2 $0x1  }
0x17: {  	s4 =	simm.s32 $0x1BF5;
	[smem:$0x3FB1] =	sst s0  }
0x18: {  	s0 =	sld [smem:$0x3F94];
	_ =	swait.ge [sflag:s4], $0x0  }
0x19: {  	s7 =	sld [smem:$0x3F95]  }
0x1a: {  	s8 =	sadd.s32 $0xFFFFE003, lr  }
0x1b: {  	s9 =	sadd.s32 $0xFFFFFEF7, lr;
	s5 =	simm.s32 $0xFFFFFFFF;
	p2 =	slt.u32 s8, $0xFFFFF086  }
0x1c: {  	p1 =	slt.u32 s9, $0xF7A;
	s5 =	simm.s32 @!p2 $0x0  }
0x1d: {  	s5 =	simm.s32 @p1 $0x1;
	p0 =	seq.s32 s7, s2  }
0x1e: {  	s7 =	smul.u32 @!p0 $0xF7A, s2;
	p2 =	seq.s32 @!p0 s5, $0x0  }
0x1f: {  	s9 =	smul.u32 $0xF7A, s1;
	s8 =	simm.s32 @!p0 $0x1BF5;
	p2 =	por !p2, p0  }
0x20: {  	[sflag:s8] =	ssyncset.s32 @!p0 $0xFFFFF086;
	s6 =	sadd.s32 @!p0 s3, s7;
	s7 =	simm.s32 @!p0 $0x108  }
0x21: {  	s3 =	sadd.s32 s3, s9;
	s6 =	sadd.s32 @!p0 $0x88, s6;
	s7 =	simm.s32 @p2 $0x1082  }
0x22: {  	[simem:s7], [sflag:s8] =	dma.local @!p0 [hbm:s6], $0xF7A  }
0x23: {  	s9 =	sor.u32 $0xD0000000, s2;
	s6 =	simm.s32 $0x108;
	_ =	swait.ge @!p0 [sflag:s8], $0x0  }
0x24: {  	s3 =	sadd.s32 $0x88, s3;
	s6 =	simm.s32 @!p1 $0x1082;
	[sflag:s4] =	ssyncset.s32 $0xFFFFF086  }
0x25: {  	[simem:s6], [sflag:s4] =	dma.local [hbm:s3], $0xF7A  }
0x26: {  	[smem:$0x3F95] =	sst s1;
	(tag) =	ssettag s2;
	_ =	strace s9  }
0x27: {  	s1 =	sld [smem:$0x3FA5]  }
0x28: {  	s2 =	sld [smem:$0x3FA6]  }
0x29: {  	s4 =	sld [smem:$0x3FA8]  }
0x2a: {  	p0 =	seq.s32 s5, $0x0;
	s5 =	sld [smem:$0x3FA9]  }
0x2b: {  	s6 =	sld [smem:$0x3FAA]  }
0x2c: {  	s7 =	sld [smem:$0x3FAB]  }
0x2d: {  	s3 =	simm.s32 $0x108;
	s8 =	sld [smem:$0x3FAC]  }
0x2e: {  	s3 =	simm.s32 @!p0 $0x1082;
	s9 =	sld [smem:$0x3FAD]  }
0x2f: {  	lr =	sadd.s32 s0, s3;
	s0 =	sld [smem:$0x3FA4]  }
0x30: {  	s3 =	sld [smem:$0x3FA7]  }
0x31: {  	[smem:$0x3FB0] =	sst s10  }
0x32: {  	s10 =	sld [smem:$0x3FAE];
	_ =	sdelay $0x3  }
0x33: {  	p0 =	seq.s32 s10, $0x1;
	s10 =	sld [smem:$0x3FB0];
	_ =	sdelay $0x3  }
0x34: {  	[smem:$0x3FB0] =	sst s10  }
0x35: {  	s10 =	sld [smem:$0x3FAF];
	_ =	sdelay $0x3  }
0x36: {  	p1 =	seq.s32 s10, $0x1;
	s10 =	sld [smem:$0x3FB0];
	_ =	sdelay $0x3  }
0x37: {  	[smem:$0x3FB0] =	sst s10  }
0x38: {  	s10 =	sld [smem:$0x3FB1]  }
0x39: {  	_ = 	snop;
	(pc) =	sbr.ind lr, $3  }
0x3a: {  	_ = 	snop  }
0x3b: {  	_ = 	snop  }
0x3c: {  	p2 =	seq.s32 s10, $0x1;
	s10 =	sld [smem:$0x3FB0]  }
0x3d: {  	_ =	shalt  }
0x3e: {  	_ =	shalt  }
0x3f: {  	_ =	shalt  }
0x40: {  	_ =	shalt  }
0x41: {  	_ =	shalt  }
0x42: {  	_ =	shalt  }
0x43: {  	_ =	shalt  }
0x44: {  	_ =	shalt  }
0x45: {  	_ =	shalt  }
0x46: {  	_ =	shalt  }
0x47: {  	_ =	shalt  }
0x48: {  	_ =	shalt  }
0x49: {  	_ =	shalt  }
0x4a: {  	_ =	shalt  }
0x4b: {  	_ =	shalt  }
0x4c: {  	_ =	shalt  }
0x4d: {  	_ =	shalt  }
0x4e: {  	_ =	shalt  }
0x4f: {  	_ =	shalt  }
0x50: {  	_ =	shalt  }
0x51: {  	_ =	shalt  }
0x52: {  	_ =	shalt  }
0x53: {  	_ =	shalt  }
0x54: {  	_ =	shalt  }
0x55: {  	_ =	shalt  }
0x56: {  	_ =	shalt  }
0x57: {  	_ =	shalt  }
0x58: {  	_ =	shalt  }
0x59: {  	_ =	shalt  }
0x5a: {  	_ =	shalt  }
0x5b: {  	_ =	shalt  }
0x5c: {  	_ =	shalt  }
0x5d: {  	_ =	shalt  }
0x5e: {  	_ =	shalt  }
0x5f: {  	_ =	shalt  }
0x60: {  	_ =	shalt  }
0x61: {  	_ =	shalt  }
0x62: {  	_ =	shalt  }
0x63: {  	_ =	shalt  }
0x64: {  	_ =	shalt  }
0x65: {  	_ =	shalt  }
0x66: {  	_ =	shalt  }
0x67: {  	_ =	shalt  }
0x68: {  	_ =	shalt  }
0x69: {  	_ =	shalt  }
0x6a: {  	_ =	shalt  }
0x6b: {  	_ =	shalt  }
0x6c: {  	_ =	shalt  }
0x6d: {  	_ =	shalt  }
0x6e: {  	_ =	shalt  }
0x6f: {  	_ =	shalt  }
0x70: {  	_ =	shalt  }
0x71: {  	_ =	shalt  }
0x72: {  	_ =	shalt  }
0x73: {  	_ =	shalt  }
0x74: {  	_ =	shalt  }
0x75: {  	_ =	shalt  }
0x76: {  	_ =	shalt  }
0x77: {  	_ =	shalt  }
0x78: {  	_ =	shalt  }
0x79: {  	_ =	shalt  }
0x7a: {  	_ =	shalt  }
0x7b: {  	_ =	shalt  }
0x7c: {  	_ =	shalt  }
0x7d: {  	_ =	shalt  }
0x7e: {  	_ =	shalt  }
0x7f: {  	_ =	shalt  }
0x80: {  	_ =	shalt  }
0x81: {  	_ =	shalt  }
0x82: {  	_ =	shalt  }
0x83: {  	_ =	shalt  }
0x84: {  	_ =	shalt  }
0x85: {  	_ =	shalt  }
0x86: {  	_ =	shalt  }
0x87: {  	_ =	shalt  }
.Lfunc_end0:
.L_simem_size_0:
called_computation_lowered:
.L_overlay_start_0:
0x88: {  	s2 =	sld [smem:$0x3FD9]  }
0x89: {  	s3 =	sld [smem:$0x3FFE];
	_ =	sdelay $0x1  }
0x8a: {  	s1 =	srdreg.scid  }
0x8b: {  	s0 =	sand.u32 $0x1, s1  }
0x8c: {  	s14 =	sshll.u32 s0, $0xA;
	s2 =	sadd.s32 s3, s2  }
0x8d: {  	s2 =	sadd.s32 s2, s14  }
0x8e: {  	[smem:$0x3FBC] =	sst s2  }
0x8f: {  	_ = 	snop  }
0x90: {  	s2 =	sld [smem:$0x3FD0];
	_ =	sdelay $0x2  }
0x91: {  	s15 =	simm.s32 $0xA;
	s4 =	simm.s32 $0x10  }
0x92: {  	[smem:s4], [sflag:s15] =	dma.local [hbm:s2], $0x1  }
0x93: {  	_ =	swait.eq [sflag:s15], $0x1  }
0x94: {  	[sflag:s15] =	ssyncset.done $0x0  }
0x95: {  	[sflag:s15] =	ssyncadd.s32 $0xFFFFFFFF  }
0x96: {  	s16 =	sld [smem:$0x10];
	(tm) =	ssettm $0x1  }
0x97: {  	s17 =	sld [smem:$0x3FFB];
	_ =	sdelay $0x3  }
0x98: {  	_ =	strace s17  }
0x99: {  	s3 =	sld [smem:$0x3FFC];
	_ =	sdelay $0x3  }
0x9a: {  	_ =	strace s3  }
0x9b: {  	s3 =	sld [smem:$0x3FFD];
	_ =	sdelay $0x3  }
0x9c: {  	_ =	strace s3  }
0x9d: {  	_ =	strace $0x8FFFFFFF  }
0x9e: {  	s18 =	sld [smem:$0x3FDB];
	_ =	sdelay $0x1  }
0x9f: {  	s19 =	simm.s32 $_scs_section_size  }
0xa0: {  	s5 =	simm.s32 $_size__tile_overlayer_lowered;
	s6 =	simm.s32 $_tile_overlayer_lowered  }
0xa1: {  	s22 =	simm.s32 $0x1BFF;
	s21 =	sshll.u32 s6, $0x1;
	s3 =	sadd.s32 s19, s18  }
0xa2: {  	s7 =	simm.s32 $0x0;
	s20 =	sshll.u32 s5, $0x1;
	s5 =	sadd.s32 s21, s3  }
0xa3: {  	[timem:s7], [sflag:s22] =	dma.local [hbm:s5], s20  }
0xa4: {  	_ =	swait.ge [sflag:s22], s20  }
0xa5: {  	s4 =	ssub.s32 $0x0, s20;
	[sflag:s22] =	ssyncset.done $0x0  }
0xa6: {  	[sflag:s22] =	ssyncadd.s32 s4;
	_ =	sdelay $0x1  }
0xa7: {  	s23 =	simm.s32 $0x1B8B  }
0xa8: {  	_ =	swait.ge [sflag:s23], $0x1  }
0xa9: {  	[sflag:s23] =	ssyncset.done $0x0  }
0xaa: {  	s25 =	simm.s32 $0x1B8E;
	s24 =	sld [smem:$0x3FFE];
	[sflag:s23] =	ssyncadd.s32 $0xFFFFFFFF  }
0xab: {  	s26 =	simm.s32 $execute0_lowered;
	[smem:$0x3FD2] =	sst s25  }
0xac: {  	s5 =	sshll.u32 s26, $0x1;
	_ =	strace $0x80000046;
	[dreg:$0x1] =	wrdreg $0xFFFFFFFF  }
0xad: {  	s28 =	simm.s32 $_size_execute0_lowered;
	s3 =	sadd.s32 s3, s5;
	[dreg:$0x0] =	wrdreg $0x0  }
0xae: {  	s5 =	sshll.u32 s28, $0x1;
	[dreg:$0x2] =	wrdreg s3  }
0xaf: {  	[dreg:$0x3] =	wrdreg s5  }
0xb0: {  	[dreg:$0x4] =	wrdreg $0xC0  }
0xb1: {  	_ =	task [dreg:s7], $0x5FFFF  }
0xb2: {  	[dreg:$0x1] =	wrdreg $0xFFFFFFFF  }
0xb3: {  	[dreg:$0x0] =	wrdreg $0x60  }
0xb4: {  	[dreg:$0x2] =	wrdreg s16  }
0xb5: {  	[dreg:$0x3] =	wrdreg s24  }
0xb6: {  	[dreg:$0x4] =	wrdreg $0x9  }
0xb7: {  	_ =	task.clear_ibuf [dreg:s7], $0x5FFFF;
	_ =	strace $0x90000046  }
0xb8: {  	s29 =	simm.s32 $0x9;
	_ =	strace $0x80000048  }
0xb9: {  	_ =	swait.ge [sflag:s29], $0x1  }
0xba: {  	[sflag:s29] =	ssyncadd.s32 $0xFFFFFFFF  }
0xbb: {  	_ =	strace $0x90000048  }
0xbc: {  	_ =	sfence  }
0xbd: {  	s30 =	sld [smem:$0x0];
	_ =	sdelay $0x2  }
0xbe: {  	s31 =	sshll.u32 s1, $0xD;
	s1 =	sshrl.u32 s1, $0x2  }
0xbf: {  	s3 =	sand.u32 $0x4000, s31;
	s1 =	sadd.s32 s1, s30  }
0xc0: {  	s0 =	sor.u32 s3, s0;
	s1 =	sshll.u32 s1, $0x11  }
0xc1: {  	s0 =	sor.u32 s1, s0  }
0xc2: {  	s0 =	sadd.s32 $0x8F2B, s0  }
0xc3: {  	[sflag:s0] =	ssyncadd.remote.s32 $0x1  }
0xc4: {  	_ =	sfence.sel $0xFFFF  }
0xc5: {  	[dreg:$0x0] =	wrdreg $0xFFFFFFFF;
	(pc) =	sbr.abs _section_cstart, $3  }
0xc6: {  	[dreg:$0x1] =	wrdreg $0xFFFFFFFF  }
0xc7: {  	_ =	task.clear_ibuf [dreg:s7], $0x2FFFF;
	_ =	strace $0x9FFFFFFF  }
0xc8: {  	(tm) =	ssettm $0x7FFFFFFF  }
0xc9: {  	_ =	shalt  }
tec
execute0_lowered:
.L_overlay_start_1:
0x0: {  	(tag) =	ssettag $0x1  }
0x1: {  	s1 =	srdreg.scid  }
0x2: {  	s2 =	rddreg [dreg:$0x0];
	s0 =	stileid.u32  }
0x3: {  	s6 =	rddreg [dreg:$0x1];
	s3 =	simm.s32 $0x0;
	s12 =	simm.s32 $0x100  }
0x4: {  	s13 =	simm.s32 $0x900;
	s14 =	simm.s32 $0x1100;
	s15 =	simm.s32 $0x1900  }
0x5: {  	s16 =	simm.s32 $0x2100;
	s17 =	simm.s32 $0x2900;
	s18 =	simm.s32 $0x3100  }
0x6: {  	s19 =	simm.s32 $0x3900;
	s20 =	simm.s32 $0x4100;
	s21 =	simm.s32 $0x4900  }
0x7: {  	s22 =	simm.s32 $0x5100;
	s23 =	simm.s32 $0x5900;
	s24 =	simm.s32 $0x6100  }
0x8: {  	s25 =	simm.s32 $0x6900;
	s28 =	simm.s32 $0x7900;
	s29 =	simm.s32 $0x8100  }
0x9: {  	s30 =	simm.s32 $0x1;
	s5 =	sand.u32 $0x1, s1;
	s1 =	rddreg [dreg:$0x2]  }
0xa: {  	s31 =	simm.s32 $0x2;
	s4 =	sshll.u32 s0, $0x8;
	[smem:$0x7FF] =	sst s3  }
0xb: {  	s7 =	sshll.u32 s5, $0x7;
	_ =	strace $0x80000047;
	s5 =	ssub.s32 $0x2, s5  }
0xc: {  	s7 =	sor.u32 s7, s4;
	s4 =	sadd.s32 $0x2400, s6;
	s26 =	sshrl.u32 s5, $0x1  }
0xd: {  	s8 =	sshrl.u32 s7, $0x3;
	s9 =	sshll.u32 s7, $0x5;
	s7 =	sshll.u32 s7, $0x4  }
0xe: {  	s11 =	ssub.s32 s5, s26;
	s26 =	simm.s32 $0x7100;
	s8 =	sadd.s32 s8, s6  }
0xf: {  	v2 =	vlaneseq.u32;
	s9 =	sadd.s32 s9, s6;
	s10 =	sadd.s32 s7, s6;
	s5 =	sadd.s32 $0x6400, s8  }
0x10: {  	vm0 =	vmmov $0xffff;
	v1 =	vshrl.u32 v2, $0x3;
	s6 =	sadd.s32 $0x6600, s8;
	s7 =	sadd.s32 $0x6800, s9;
	s8 =	sadd.s32 $0x26800, s10  }
0x11: {  	v0 =	vand.u32 $0x7, v2;
	v2 =	vor.u32 $0x8, v2;
	v1 =	vmul.u32 $0x8, v1;
	s9 =	smax.u32 s11, $0x1;
	s10 =	simm.s32 $0x3;
	s11 =	simm.s32 $0x80  }
.LBB2_1:
0x12: {  	[tilespmem:s3], [sflag:$0x3] =	stream.linear.gather [hbm4b:s5+s3], $0x80, $0x38;
	[tilespmem:$0xC100] =	vst v63  }
0x13: {  	_ =	swait.ge [sflag:s10], $0x80  }
0x14: {  	[sflag:s10] =	ssyncset.done $0x0  }
0x15: {  	[sflag:s10] =	ssyncadd.s32 $0xFFFFFF80  }
0x16: {  	[tilespmem:s11], [sflag:$0x3] =	stream.linear.gather [hbm4b:s6+s3], $0x80, $0x38;
	[tilespmem:$0xC100] =	vst v63  }
0x17: {  	_ =	swait.ge [sflag:s10], $0x80  }
0x18: {  	[sflag:s10] =	ssyncset.done $0x0  }
0x19: {  	[sflag:s10] =	ssyncadd.s32 $0xFFFFFF80  }
0x1a: {  	v3 =	vld [tilespmem:$0x0];
	_ =	sdelay $0x4  }
0x1b: {  	v4 =	vshll.u32 v3, $0x1  }
0x1c: {  	v3 =	vand.u32 $0x7, v3;
	v4 =	vand.u32 $0xFFFFFFF0, v4  }
0x1d: {  	v3 =	vor.u32 v3, v4  }
0x1e: {  	v4 =	vperm.xlane v3, v0;
	_ =	sdelay $0x1  }
0x1f: {  	v3 =	vperm.xlane v3, v2;
	v4 =	vadd.s32 v1, v4;
	_ =	sdelay $0x1  }
0x20: {  	v3 =	vadd.s32 v1, v3;
	_ =	sdelay $0x2  }
0x21: {  	[tilespmem:s12], [sflag:$0x1] =	stream.indirect_vreg.gather [hbm4b:s2+s3], $0x80, v4, vm0, $0xb8;
	[tilespmem:$0xC100] =	vst v63  }
0x22: {  	_ = 	snop  }
0x23: {  	[tilespmem:s13], [sflag:$0x1] =	stream.indirect_vreg.gather [hbm4b:s2+s3], $0x80, v3, vm0, $0xb8;
	[tilespmem:$0xC100] =	vst v63  }
0x24: {  	v3 =	vld [tilespmem:$0x10];
	_ =	sdelay $0x4  }
0x25: {  	v57 =	vshll.u32 v3, $0x1  }
0x26: {  	v3 =	vand.u32 $0x7, v3;
	v4 =	vand.u32 $0xFFFFFFF0, v57  }
0x27: {  	v3 =	vor.u32 v3, v4  }
0x28: {  	v4 =	vperm.xlane v3, v0;
	_ =	sdelay $0x1  }
0x29: {  	v3 =	vperm.xlane v3, v2;
	v4 =	vadd.s32 v1, v4;
	_ =	sdelay $0x1  }
0x2a: {  	v3 =	vadd.s32 v1, v3;
	_ =	sdelay $0x2  }
0x2b: {  	[tilespmem:s14], [sflag:$0x1] =	stream.indirect_vreg.gather [hbm4b:s2+s3], $0x80, v4, vm0, $0xb8;
	[tilespmem:$0xC100] =	vst v63  }
0x2c: {  	_ = 	snop  }
0x2d: {  	[tilespmem:s15], [sflag:$0x1] =	stream.indirect_vreg.gather [hbm4b:s2+s3], $0x80, v3, vm0, $0xb8;
	[tilespmem:$0xC100] =	vst v63  }
0x2e: {  	v3 =	vld [tilespmem:$0x20];
	_ =	sdelay $0x4  }
0x2f: {  	v58 =	vshll.u32 v3, $0x1  }
0x30: {  	v3 =	vand.u32 $0x7, v3;
	v4 =	vand.u32 $0xFFFFFFF0, v58  }
0x31: {  	v3 =	vor.u32 v3, v4  }
0x32: {  	v4 =	vperm.xlane v3, v0;
	_ =	sdelay $0x1  }
0x33: {  	v3 =	vperm.xlane v3, v2;
	v4 =	vadd.s32 v1, v4;
	_ =	sdelay $0x1  }
0x34: {  	v3 =	vadd.s32 v1, v3;
	_ =	sdelay $0x2  }
0x35: {  	[tilespmem:s16], [sflag:$0x1] =	stream.indirect_vreg.gather [hbm4b:s2+s3], $0x80, v4, vm0, $0xb8;
	[tilespmem:$0xC100] =	vst v63  }
0x36: {  	_ = 	snop  }
0x37: {  	[tilespmem:s17], [sflag:$0x1] =	stream.indirect_vreg.gather [hbm4b:s2+s3], $0x80, v3, vm0, $0xb8;
	[tilespmem:$0xC100] =	vst v63  }
0x38: {  	v3 =	vld [tilespmem:$0x30];
	_ =	sdelay $0x4  }
0x39: {  	v59 =	vshll.u32 v3, $0x1  }
0x3a: {  	v3 =	vand.u32 $0x7, v3;
	v4 =	vand.u32 $0xFFFFFFF0, v59  }
0x3b: {  	v3 =	vor.u32 v3, v4  }
0x3c: {  	v4 =	vperm.xlane v3, v0;
	_ =	sdelay $0x1  }
0x3d: {  	v3 =	vperm.xlane v3, v2;
	v4 =	vadd.s32 v1, v4;
	_ =	sdelay $0x1  }
0x3e: {  	v3 =	vadd.s32 v1, v3;
	_ =	sdelay $0x2  }
0x3f: {  	[tilespmem:s18], [sflag:$0x1] =	stream.indirect_vreg.gather [hbm4b:s2+s3], $0x80, v4, vm0, $0xb8;
	[tilespmem:$0xC100] =	vst v63  }
0x40: {  	_ = 	snop  }
0x41: {  	[tilespmem:s19], [sflag:$0x1] =	stream.indirect_vreg.gather [hbm4b:s2+s3], $0x80, v3, vm0, $0xb8;
	[tilespmem:$0xC100] =	vst v63  }
0x42: {  	v3 =	vld [tilespmem:$0x40];
	_ =	sdelay $0x4  }
0x43: {  	v60 =	vshll.u32 v3, $0x1  }
0x44: {  	v3 =	vand.u32 $0x7, v3;
	v4 =	vand.u32 $0xFFFFFFF0, v60  }
0x45: {  	v3 =	vor.u32 v3, v4  }
0x46: {  	v4 =	vperm.xlane v3, v0;
	_ =	sdelay $0x1  }
0x47: {  	v3 =	vperm.xlane v3, v2;
	v4 =	vadd.s32 v1, v4;
	_ =	sdelay $0x1  }
0x48: {  	v3 =	vadd.s32 v1, v3;
	_ =	sdelay $0x2  }
0x49: {  	[tilespmem:s20], [sflag:$0x1] =	stream.indirect_vreg.gather [hbm4b:s2+s3], $0x80, v4, vm0, $0xb8;
	[tilespmem:$0xC100] =	vst v63  }
0x4a: {  	_ = 	snop  }
0x4b: {  	[tilespmem:s21], [sflag:$0x1] =	stream.indirect_vreg.gather [hbm4b:s2+s3], $0x80, v3, vm0, $0xb8;
	[tilespmem:$0xC100] =	vst v63  }
0x4c: {  	v3 =	vld [tilespmem:$0x50];
	_ =	sdelay $0x4  }
0x4d: {  	v61 =	vshll.u32 v3, $0x1  }
0x4e: {  	v3 =	vand.u32 $0x7, v3;
	v4 =	vand.u32 $0xFFFFFFF0, v61  }
0x4f: {  	v3 =	vor.u32 v3, v4  }
0x50: {  	v4 =	vperm.xlane v3, v0;
	_ =	sdelay $0x1  }
0x51: {  	v3 =	vperm.xlane v3, v2;
	v4 =	vadd.s32 v1, v4;
	_ =	sdelay $0x1  }
0x52: {  	v3 =	vadd.s32 v1, v3;
	_ =	sdelay $0x2  }
0x53: {  	[tilespmem:s22], [sflag:$0x1] =	stream.indirect_vreg.gather [hbm4b:s2+s3], $0x80, v4, vm0, $0xb8;
	[tilespmem:$0xC100] =	vst v63  }
0x54: {  	_ = 	snop  }
0x55: {  	[tilespmem:s23], [sflag:$0x1] =	stream.indirect_vreg.gather [hbm4b:s2+s3], $0x80, v3, vm0, $0xb8;
	[tilespmem:$0xC100] =	vst v63  }
0x56: {  	v3 =	vld [tilespmem:$0x60];
	_ =	sdelay $0x4  }
0x57: {  	v62 =	vshll.u32 v3, $0x1  }
0x58: {  	v3 =	vand.u32 $0x7, v3;
	v4 =	vand.u32 $0xFFFFFFF0, v62  }
0x59: {  	v3 =	vor.u32 v3, v4  }
0x5a: {  	v4 =	vperm.xlane v3, v0;
	_ =	sdelay $0x1  }
0x5b: {  	v3 =	vperm.xlane v3, v2;
	v4 =	vadd.s32 v1, v4;
	_ =	sdelay $0x1  }
0x5c: {  	v3 =	vadd.s32 v1, v3;
	_ =	sdelay $0x2  }
0x5d: {  	[tilespmem:s24], [sflag:$0x1] =	stream.indirect_vreg.gather [hbm4b:s2+s3], $0x80, v4, vm0, $0xb8;
	[tilespmem:$0xC100] =	vst v63  }
0x5e: {  	_ = 	snop  }
0x5f: {  	[tilespmem:s25], [sflag:$0x1] =	stream.indirect_vreg.gather [hbm4b:s2+s3], $0x80, v3, vm0, $0xb8;
	[tilespmem:$0xC100] =	vst v63  }
0x60: {  	v3 =	vld [tilespmem:$0x70];
	_ =	sdelay $0x4  }
0x61: {  	v63 =	vshll.u32 v3, $0x1  }
0x62: {  	v3 =	vand.u32 $0x7, v3;
	v4 =	vand.u32 $0xFFFFFFF0, v63  }
0x63: {  	v3 =	vor.u32 v3, v4  }
0x64: {  	v4 =	vperm.xlane v3, v0;
	_ =	sdelay $0x1  }
0x65: {  	v3 =	vperm.xlane v3, v2;
	v4 =	vadd.s32 v1, v4;
	_ =	sdelay $0x1  }
0x66: {  	v3 =	vadd.s32 v1, v3;
	_ =	sdelay $0x2  }
0x67: {  	[tilespmem:s26], [sflag:$0x1] =	stream.indirect_vreg.gather [hbm4b:s2+s3], $0x80, v4, vm0, $0xb8;
	[tilespmem:$0xC100] =	vst v63  }
0x68: {  	_ = 	snop  }
0x69: {  	[tilespmem:s28], [sflag:$0x1] =	stream.indirect_vreg.gather [hbm4b:s2+s3], $0x80, v3, vm0, $0xb8;
	[tilespmem:$0xC100] =	vst v63  }
0x6a: {  	_ = 	snop  }
0x6b: {  	[tilespmem:s29], [sflag:$0x2] =	stream.indirect.gather [hbm4b:s4+s11], $0x80, s11, s11, $0xb8;
	[tilespmem:$0xC100] =	vst v63  }
0x6c: {  	_ =	swait.ge [sflag:s30], $0x8000  }
0x6d: {  	[sflag:s30] =	ssyncset.done $0x0  }
0x6e: {  	[sflag:s30] =	ssyncadd.s32 $0xFFFF8000  }
0x6f: {  	_ =	swait.ge [sflag:s31], $0x4000  }
0x70: {  	[sflag:s31] =	ssyncset.done $0x0  }
0x71: {  	[sflag:s31] =	ssyncadd.s32 $0xFFFFC000  }
0x72: {  	[hbm4b:s7+s3] =	stream.linear.scatter [tilespmem:s12], [sflag:$0x3], $0x8000, $0x38;
	[tilespmem:$0xC100] =	vst v63  }
0x73: {  	_ =	swait.ge [sflag:s10], $0x8000  }
0x74: {  	p0 =	sne.s32 s9, $0x1;
	[sflag:s10] =	ssyncset.done $0x0  }
.Ltmp0:
0x75: {  	[sflag:s10] =	ssyncadd.s32 $0xFFFF8000;
	(pc) =	sbr.rel @p0 .LBB2_1-.Ltmp0, $4  }
0x76: {  	[hbm4b:s8+s3] =	stream.linear.scatter [tilespmem:s29], [sflag:$0x3], $0x4000, $0x38;
	[tilespmem:$0xC100] =	vst v63  }
0x77: {  	_ =	swait.ge [sflag:s10], $0x4000  }
0x78: {  	[sflag:s10] =	ssyncset.done $0x0  }
0x79: {  	s9 =	sadd.s32 $0xFFFFFFFF, s9;
	[sflag:s10] =	ssyncadd.s32 $0xFFFFC000  }
0x7a: {  	_ =	sfence.sel $0x180000  }
0x7b: {  	[bflag:$0x0] =	sbarrier.arrive $0xFFFF  }
0x7c: {  	p0 =	sne.s32 s0, $0x0;
	_ =	strace $0x90000047  }
0x7d: {  	s0 =	sadd.s32 @!p0 $0x100000, s1;
	[bflag:$0x2] =	sbarrier.arrive $0xFFFF  }
0x7e: {  	[sflag:s0] =	ssyncadd.tile.s32 @!p0 $0x1;
	_ =	shalt  }
.Lfunc_end2:
_tile_overlayer_lowered:
.L_overlay_start_2:
0x7f: {  	(tag) =	ssettag $0x2  }
0x80: {  	s0 =	rddreg [dreg:$0x0];
	s2 =	stileid.u32  }
0x81: {  	s1 =	rddreg [dreg:$0x1];
	p0 =	sne.s32 s2, $0x0  }
0x82: {  	s3 =	rddreg [dreg:$0x2];
	[bflag:$0x3] =	sbarrier.arrive $0xFFFF;
	s2 =	simm.s32 @!p0 $0x1C03  }
0x83: {  	[timem:s3], [sflag:s2] =	dma.local @!p0 [hbm:s0], s1  }
0x84: {  	s0 =	simm.s32 @!p0 $0x3  }
0x85: {  	_ =	swait.ge @!p0 [sflag:s0], s1  }
0x86: {  	s1 =	ssub.s32 @!p0 $0x0, s1;
	[sflag:s0] =	ssyncset.done @!p0 $0x0  }
0x87: {  	[sflag:s0] =	ssyncadd.s32 @!p0 s1  }
0x88: {  	[bflag:$0x3] =	sbarrier.arrive $0xFFFF  }
0x89: {  	_ =	shalt  }

</sc_bundles>
